<compile_context>
chip_gen: v7x
topology: tpu7x:2x2x1
jax: 0.10.2.dev20260603
libtpu: 0.0.44.dev20260713+nightly
codegen_flags: <defaults>
</compile_context>

<pallas_src>
import functools

import jax
import jax.numpy as jnp
from jax import lax
from jax.experimental import pallas as pl
from jax.experimental.pallas import tpu as pltpu
from jax.experimental.pallas import tpu_sc as plsc

_M, _P, _DIM = 2048, 128, 128
_NC, _NS = 2, 16
_NW = _NC * _NS
_BW = _M // _NW
_BM = 128


def _emb_lookup_sc(tbl, tcd):
    mesh = plsc.VectorSubcoreMesh(core_axis_name="c", subcore_axis_name="s")

    @functools.partial(
        pl.kernel,
        mesh=mesh,
        out_type=jax.ShapeDtypeStruct((_M, _DIM), jnp.float32),
        scratch_types=[
            pltpu.VMEM((3 * _BW,), jnp.int32),
            pltpu.VMEM((_BW,), jnp.int32),
            pltpu.VMEM((_BW, _DIM), jnp.float32),
            pltpu.SemaphoreType.DMA,
            pltpu.SemaphoreType.DMA,
            pltpu.SemaphoreType.DMA,
        ],
    )
    def k(tbl_hbm, tcd_hbm, out_hbm, tcd_v, idx_v, rows_v, sem, sem2, sem3):
        wid = lax.axis_index("s") * _NC + lax.axis_index("c")
        base = wid * _BW
        cp1 = pltpu.async_copy(tcd_hbm.at[pl.ds(base, _BW)],
                               tcd_v.at[pl.ds(0, _BW)], sem)
        cp2 = pltpu.async_copy(tcd_hbm.at[pl.ds(_M + base, _BW)],
                               tcd_v.at[pl.ds(_BW, _BW)], sem2)
        cp3 = pltpu.async_copy(tcd_hbm.at[pl.ds(2 * _M + base, _BW)],
                               tcd_v.at[pl.ds(2 * _BW, _BW)], sem3)
        cp1.wait(); cp2.wait(); cp3.wait()
        for j in range(_BW // 16):
            idx_v[pl.ds(j * 16, 16)] = (
                tcd_v[pl.ds(j * 16, 16)] * 6
                + tcd_v[pl.ds(_BW + j * 16, 16)] * 3
                + tcd_v[pl.ds(2 * _BW + j * 16, 16)])
        pltpu.async_copy(tbl_hbm.at[idx_v], rows_v, sem).wait()
        pltpu.sync_copy(rows_v, out_hbm.at[pl.ds(base, _BW)])

    return k(tbl, tcd)


def _mlp_body(pv_ref, ct_ref, mk_ref, emb_ref, w1_ref, b1_ref, w2_ref, b2_ref,
              w3a_ref, w3b_ref, b3_ref, w4_ref, b4_ref, out_ref):
    f32, bf16 = jnp.float32, jnp.bfloat16
    x = pv_ref[...].reshape(_BM * _P, 6)
    t1 = jnp.dot(x, w1_ref[...], preferred_element_type=f32).astype(bf16)
    c1 = b1_ref[...] - jnp.dot(ct_ref[...], w1_ref[0:3, :],
                               preferred_element_type=f32).astype(bf16)
    h1 = t1.reshape(_BM, _P, 128) + c1[:, None, :]
    h1 = jnp.maximum(h1, jnp.zeros((), bf16))
    h = jnp.dot(h1.reshape(_BM * _P, 128), w2_ref[...],
                preferred_element_type=f32).astype(bf16) + b2_ref[...]
    m = mk_ref[...]
    hm = h.reshape(_BM, _P, 256) * m[:, :, None]
    pooled = jnp.max(hm, axis=1)
    t3 = jnp.dot(hm.reshape(_BM * _P, 256), w3a_ref[...],
                 preferred_element_type=f32).astype(bf16)
    p3 = jnp.dot(pooled, w3b_ref[...],
                 preferred_element_type=f32).astype(bf16) + b3_ref[...]
    g1 = jnp.maximum(t3.reshape(_BM, _P, 256) + p3[:, None, :],
                     jnp.zeros((), bf16))
    g = jnp.dot(g1.reshape(_BM * _P, 256), w4_ref[...],
                preferred_element_type=f32).astype(bf16) + b4_ref[...]
    gm = g.reshape(_BM, _P, _DIM) * m[:, :, None]
    out_ref[...] = jnp.max(gm, axis=1).astype(f32) + emb_ref[...]


def _mlp_tc(posvec, center, maskf, emb, w1f, b1f, w2, b2, w3a, w3b, b3f, w4, b4):
    const = lambda *dims: pl.BlockSpec(dims, lambda i: (0,) * len(dims))
    return pl.pallas_call(
        _mlp_body,
        grid=(_M // _BM,),
        in_specs=[
            pl.BlockSpec((_BM, _P, 6), lambda i: (i, 0, 0)),
            pl.BlockSpec((_BM, 3), lambda i: (i, 0)),
            pl.BlockSpec((_BM, _P), lambda i: (i, 0)),
            pl.BlockSpec((_BM, _DIM), lambda i: (i, 0)),
            const(6, 128), const(1, 128),
            const(128, 256), const(1, 256),
            const(256, 256), const(256, 256), const(1, 256),
            const(256, _DIM), const(1, _DIM),
        ],
        out_specs=pl.BlockSpec((_BM, _DIM), lambda i: (i, 0)),
        out_shape=jax.ShapeDtypeStruct((_M, _DIM), jnp.float32),
        compiler_params=pltpu.CompilerParams(
            dimension_semantics=("parallel",)),
    )(posvec, center, maskf, emb, w1f, b1f, w2, b2, w3a, w3b, b3f, w4, b4)


def kernel(q_lane_type, q_point_position, q_point_vector, q_lane_control,
           q_lane_direction, q_lane_center, q_valid_mask,
           w1, b1, bn1_g, bn1_b, w2, b2, w3, b3, bn2_g, bn2_b, w4, b4,
           type_emb, control_emb, direction_emb):
    bf16 = jnp.bfloat16
    posvec = jnp.concatenate(
        [q_point_position, q_point_vector], axis=-1).astype(bf16)
    maskf = q_valid_mask.astype(bf16)
    w1f = w1 * bn1_g[None, :]
    b1f = (b1 * bn1_g + bn1_b)[None, :]
    w3f = w3 * bn2_g[None, :]
    b3f = ((b3 * bn2_g) + bn2_b)[None, :]
    w3a, w3b = w3f[:256], w3f[256:]
    tbl = (type_emb[:, None, None, :] + control_emb[None, :, None, :]
           + direction_emb[None, None, :, :]).reshape(12, _DIM)
    tcd = jnp.concatenate([q_lane_type.astype(jnp.int32),
                           q_lane_control.astype(jnp.int32),
                           q_lane_direction.astype(jnp.int32)])
    emb = _emb_lookup_sc(tbl, tcd)
    x = _mlp_tc(posvec, q_lane_center.astype(bf16), maskf, emb,
                w1f.astype(bf16), b1f.astype(bf16),
                w2.astype(bf16), b2[None, :].astype(bf16),
                w3a.astype(bf16), w3b.astype(bf16), b3f.astype(bf16),
                w4.astype(bf16), b4[None, :].astype(bf16))
    return (x[None], q_valid_mask[None])

# --- scband reference (transcript-rebuilt; emitter-appended) ---
"""Pipeline reference for scband-map-encoder-31379031065232 (READ-ONLY COPY).

The authoritative reference and input builder live on the scoring server;
editing this copy changes nothing except your own understanding.
"""

import jax, jax.numpy as jnp
import numpy as np

M, P, DIM = 2048, 128, 128

def setup_inputs(seed: int = 0) -> dict:
    key = jax.random.key(seed)
    ks = jax.random.split(key, 16)
    def gn(k, shape, scale=0.02):
        return jax.random.normal(k, shape, dtype=jnp.float32) * scale
    inp = {
        'q_lane_type': jax.random.randint(ks[0], (M,), 0, 2),
        'q_point_position': jax.random.normal(ks[1], (M, P, 3), dtype=jnp.float32),
        'q_point_vector': jax.random.normal(ks[2], (M, P, 3), dtype=jnp.float32),
        'q_lane_control': jax.random.randint(ks[3], (M,), 0, 2),
        'q_lane_direction': jax.random.randint(ks[4], (M,), 0, 3),
        'q_lane_center': jax.random.normal(ks[5], (M, 3), dtype=jnp.float32),
        'q_valid_mask': jax.random.randint(ks[6], (M, P), 0, 2).astype(bool),
        'w1': gn(ks[7], (6, 128)), 'b1': jnp.zeros((128,), jnp.float32),
        'bn1_g': jnp.ones((128,), jnp.float32), 'bn1_b': jnp.zeros((128,), jnp.float32),
        'w2': gn(ks[8], (128, 256)), 'b2': jnp.zeros((256,), jnp.float32),
        'w3': gn(ks[9], (512, 256)), 'b3': jnp.zeros((256,), jnp.float32),
        'bn2_g': jnp.ones((256,), jnp.float32), 'bn2_b': jnp.zeros((256,), jnp.float32),
        'w4': gn(ks[10], (256, DIM)), 'b4': jnp.zeros((DIM,), jnp.float32),
        'type_emb': gn(ks[11], (2, DIM)),
        'control_emb': gn(ks[12], (2, DIM)),
        'direction_emb': gn(ks[13], (3, DIM)),
    }
    return inp

def reference(q_lane_type, q_point_position, q_point_vector, q_lane_control,
              q_lane_direction, q_lane_center, q_valid_mask,
              w1, b1, bn1_g, bn1_b, w2, b2, w3, b3, bn2_g, bn2_b, w4, b4,
              type_emb, control_emb, direction_emb):
    # polygon_feature = cat([point_position - lane_center, point_vector], -1)  -> [M, P, 6]
    feat = jnp.concatenate([q_point_position - q_lane_center[:, None, :], q_point_vector], axis=-1)
    mask = q_valid_mask  # [M, P] bool
    # PointsEncoder first_mlp (Linear-BN(eval)-ReLU-Linear), masked points contribute zeros
    h = feat @ w1 + b1
    h = h * bn1_g + bn1_b
    h = jax.nn.relu(h)
    h = h @ w2 + b2                      # [M, P, 256]
    h = jnp.where(mask[..., None], h, 0.0)
    pooled = jnp.max(h, axis=1)          # [M, 256]
    g = jnp.concatenate([h, jnp.broadcast_to(pooled[:, None, :], (M, P, 256))], axis=-1)  # [M, P, 512]
    # second_mlp
    g = g @ w3 + b3
    g = g * bn2_g + bn2_b
    g = jax.nn.relu(g)
    g = g @ w4 + b4                      # [M, P, DIM]
    g = jnp.where(mask[..., None], g, 0.0)
    x_polygon = jnp.max(g, axis=1)       # [M, DIM]
    # categorical embeddings (gathers)
    x = x_polygon + jnp.take(type_emb, q_lane_type, axis=0) \
        + jnp.take(control_emb, q_lane_control, axis=0) \
        + jnp.take(direction_emb, q_lane_direction, axis=0)
    # lane_counts is None -> single split covering all lanes; pad_sequence -> leading batch dim of 1
    lane_features = x[None, :, :]        # [1, M, DIM]
    valid_mask_out = mask[None, :, :]    # [1, M, P]
    return (lane_features, valid_mask_out)

if __name__ == "__main__":
    import jax
    _d = setup_inputs()
    print(jax.jit(kernel)(*tuple(_d.values())))

</pallas_src>

<mosaic_0001>
#map = affine_map<(d0, d1) -> (0, 0)>
#map1 = affine_map<(d0, d1) -> (0)>
module attributes {stable_mosaic.version = 14 : i64} {
  func.func @k(%arg0: i32, %arg1: i32, %arg2: memref<12x128xf32, #tpu.memory_space<hbm>>, %arg3: memref<6144xi32, #tpu.memory_space<hbm>>, %arg4: memref<2048x128xf32, #tpu.memory_space<hbm>>, %arg5: memref<192xi32, #tpu.memory_space<vmem>>, %arg6: memref<64xi32, #tpu.memory_space<vmem>>, %arg7: memref<64x128xf32, #tpu.memory_space<vmem>>, %arg8: memref<!tpu.dma_semaphore, #tpu.memory_space<semaphore_mem>>, %arg9: memref<!tpu.dma_semaphore, #tpu.memory_space<semaphore_mem>>, %arg10: memref<!tpu.dma_semaphore, #tpu.memory_space<semaphore_mem>>) attributes {dimension_semantics = [#tpu.dimension_semantics<core_parallel>, #tpu.dimension_semantics<subcore_parallel>], iteration_bounds = array<i64: 2, 16>, scalar_prefetch = 0 : i64, scratch_operands = 6 : i64, tpu.core_type = #tpu.core_type<sc_vector_subcore>, window_params = [{transform_indices = #map}, {transform_indices = #map1}, {transform_indices = #map}]} {
    %mul3A = arith.constant 2 : i32
    %mul3A_0 = arith.muli %arg1, %mul3A : i32
    %add3A = arith.addi %mul3A_0, %arg0 : i32
    %mul3A_1 = arith.constant 64 : i32
    %mul3A_2 = arith.muli %add3A, %mul3A_1 : i32
    %dma_start3A = arith.constant 0 : i32
    %dma_start3A_3 = tpu.memref_slice %arg5[%dma_start3A] : memref<192xi32, #tpu.memory_space<vmem>> -> memref<64xi32, #tpu.memory_space<vmem>>
    %dma_start3A_4 = tpu.memref_slice %arg3[%mul3A_2] : memref<6144xi32, #tpu.memory_space<hbm>> -> memref<64xi32, #tpu.memory_space<hbm>>
    %dma_start3A_5 = arith.constant 0 : i32
    %dma_start3A_6 = tpu.memref_slice %arg5[%dma_start3A_5] : memref<192xi32, #tpu.memory_space<vmem>> -> memref<64xi32, #tpu.memory_space<vmem>>
    %dma_start3A_7 = tpu.memref_slice %arg3[%mul3A_2] : memref<6144xi32, #tpu.memory_space<hbm>> -> memref<64xi32, #tpu.memory_space<hbm>>
    tpu.enqueue_dma source(%dma_start3A_7 : memref<64xi32, #tpu.memory_space<hbm>>) target(%dma_start3A_6 : memref<64xi32, #tpu.memory_space<vmem>>) target_semaphore(%arg8 : memref<!tpu.dma_semaphore, #tpu.memory_space<semaphore_mem>>)
    %add3A_8 = arith.constant 2048 : i32
    %add3A_9 = arith.addi %add3A_8, %mul3A_2 : i32
    %dma_start3A_10 = arith.constant 64 : i32
    %dma_start3A_11 = tpu.memref_slice %arg5[%dma_start3A_10] : memref<192xi32, #tpu.memory_space<vmem>> -> memref<64xi32, #tpu.memory_space<vmem>>
    %dma_start3A_12 = tpu.memref_slice %arg3[%add3A_9] : memref<6144xi32, #tpu.memory_space<hbm>> -> memref<64xi32, #tpu.memory_space<hbm>>
    %dma_start3A_13 = arith.constant 64 : i32
    %dma_start3A_14 = tpu.memref_slice %arg5[%dma_start3A_13] : memref<192xi32, #tpu.memory_space<vmem>> -> memref<64xi32, #tpu.memory_space<vmem>>
    %dma_start3A_15 = tpu.memref_slice %arg3[%add3A_9] : memref<6144xi32, #tpu.memory_space<hbm>> -> memref<64xi32, #tpu.memory_space<hbm>>
    tpu.enqueue_dma source(%dma_start3A_15 : memref<64xi32, #tpu.memory_space<hbm>>) target(%dma_start3A_14 : memref<64xi32, #tpu.memory_space<vmem>>) target_semaphore(%arg9 : memref<!tpu.dma_semaphore, #tpu.memory_space<semaphore_mem>>)
    %add3A_16 = arith.constant 4096 : i32
    %add3A_17 = arith.addi %add3A_16, %mul3A_2 : i32
    %dma_start3A_18 = arith.constant 128 : i32
    %dma_start3A_19 = tpu.memref_slice %arg5[%dma_start3A_18] : memref<192xi32, #tpu.memory_space<vmem>> -> memref<64xi32, #tpu.memory_space<vmem>>
    %dma_start3A_20 = tpu.memref_slice %arg3[%add3A_17] : memref<6144xi32, #tpu.memory_space<hbm>> -> memref<64xi32, #tpu.memory_space<hbm>>
    %dma_start3A_21 = arith.constant 128 : i32
    %dma_start3A_22 = tpu.memref_slice %arg5[%dma_start3A_21] : memref<192xi32, #tpu.memory_space<vmem>> -> memref<64xi32, #tpu.memory_space<vmem>>
    %dma_start3A_23 = tpu.memref_slice %arg3[%add3A_17] : memref<6144xi32, #tpu.memory_space<hbm>> -> memref<64xi32, #tpu.memory_space<hbm>>
    tpu.enqueue_dma source(%dma_start3A_23 : memref<64xi32, #tpu.memory_space<hbm>>) target(%dma_start3A_22 : memref<64xi32, #tpu.memory_space<vmem>>) target_semaphore(%arg10 : memref<!tpu.dma_semaphore, #tpu.memory_space<semaphore_mem>>)
    %dma_wait3A = arith.constant 0 : i32
    %dma_wait3A_24 = tpu.memref_slice %arg5[%dma_wait3A] : memref<192xi32, #tpu.memory_space<vmem>> -> memref<64xi32, #tpu.memory_space<vmem>>
    %dma_wait3A_25 = tpu.memref_slice %arg3[%mul3A_2] : memref<6144xi32, #tpu.memory_space<hbm>> -> memref<64xi32, #tpu.memory_space<hbm>>
    %dma_wait3A_26 = arith.constant 0 : i32
    %dma_wait3A_27 = tpu.memref_slice %arg5[%dma_wait3A_26] : memref<192xi32, #tpu.memory_space<vmem>> -> memref<64xi32, #tpu.memory_space<vmem>>
    %dma_wait3A_28 = tpu.memref_slice %arg3[%mul3A_2] : memref<6144xi32, #tpu.memory_space<hbm>> -> memref<64xi32, #tpu.memory_space<hbm>>
    tpu.wait_dma2 semaphore(%arg8 : memref<!tpu.dma_semaphore, #tpu.memory_space<semaphore_mem>>) src(%dma_wait3A_28 : memref<64xi32, #tpu.memory_space<hbm>>) dst(%dma_wait3A_27 : memref<64xi32, #tpu.memory_space<vmem>>)
    %dma_wait3A_29 = arith.constant 64 : i32
    %dma_wait3A_30 = tpu.memref_slice %arg5[%dma_wait3A_29] : memref<192xi32, #tpu.memory_space<vmem>> -> memref<64xi32, #tpu.memory_space<vmem>>
    %dma_wait3A_31 = tpu.memref_slice %arg3[%add3A_9] : memref<6144xi32, #tpu.memory_space<hbm>> -> memref<64xi32, #tpu.memory_space<hbm>>
    %dma_wait3A_32 = arith.constant 64 : i32
    %dma_wait3A_33 = tpu.memref_slice %arg5[%dma_wait3A_32] : memref<192xi32, #tpu.memory_space<vmem>> -> memref<64xi32, #tpu.memory_space<vmem>>
    %dma_wait3A_34 = tpu.memref_slice %arg3[%add3A_9] : memref<6144xi32, #tpu.memory_space<hbm>> -> memref<64xi32, #tpu.memory_space<hbm>>
    tpu.wait_dma2 semaphore(%arg9 : memref<!tpu.dma_semaphore, #tpu.memory_space<semaphore_mem>>) src(%dma_wait3A_34 : memref<64xi32, #tpu.memory_space<hbm>>) dst(%dma_wait3A_33 : memref<64xi32, #tpu.memory_space<vmem>>)
    %dma_wait3A_35 = arith.constant 128 : i32
    %dma_wait3A_36 = tpu.memref_slice %arg5[%dma_wait3A_35] : memref<192xi32, #tpu.memory_space<vmem>> -> memref<64xi32, #tpu.memory_space<vmem>>
    %dma_wait3A_37 = tpu.memref_slice %arg3[%add3A_17] : memref<6144xi32, #tpu.memory_space<hbm>> -> memref<64xi32, #tpu.memory_space<hbm>>
    %dma_wait3A_38 = arith.constant 128 : i32
    %dma_wait3A_39 = tpu.memref_slice %arg5[%dma_wait3A_38] : memref<192xi32, #tpu.memory_space<vmem>> -> memref<64xi32, #tpu.memory_space<vmem>>
    %dma_wait3A_40 = tpu.memref_slice %arg3[%add3A_17] : memref<6144xi32, #tpu.memory_space<hbm>> -> memref<64xi32, #tpu.memory_space<hbm>>
    tpu.wait_dma2 semaphore(%arg10 : memref<!tpu.dma_semaphore, #tpu.memory_space<semaphore_mem>>) src(%dma_wait3A_40 : memref<64xi32, #tpu.memory_space<hbm>>) dst(%dma_wait3A_39 : memref<64xi32, #tpu.memory_space<vmem>>)
    %get3A = arith.constant 0 : index
    %get3A_41 = tpu.vector_load %arg5[%get3A] {strides = array<i32>} : memref<192xi32, #tpu.memory_space<vmem>>, vector<16xi32>,
    %get3A_42 = vector.shape_cast %get3A_41 : vector<16xi32> to vector<16xi32>
    %mul3A_43 = arith.constant 6 : i32
    %mul3A_44 = vector.broadcast %mul3A_43 : i32 to vector<16xi32>
    %mul3A_45 = arith.muli %get3A_42, %mul3A_44 : vector<16xi32>
    %get3A_46 = arith.constant 64 : index
    %get3A_47 = tpu.vector_load %arg5[%get3A_46] {strides = array<i32>} : memref<192xi32, #tpu.memory_space<vmem>>, vector<16xi32>,
    %get3A_48 = vector.shape_cast %get3A_47 : vector<16xi32> to vector<16xi32>
    %mul3A_49 = arith.constant 3 : i32
    %mul3A_50 = vector.broadcast %mul3A_49 : i32 to vector<16xi32>
    %mul3A_51 = arith.muli %get3A_48, %mul3A_50 : vector<16xi32>
    %add3A_52 = arith.addi %mul3A_45, %mul3A_51 : vector<16xi32>
    %get3A_53 = arith.constant 128 : index
    %get3A_54 = tpu.vector_load %arg5[%get3A_53] {strides = array<i32>} : memref<192xi32, #tpu.memory_space<vmem>>, vector<16xi32>,
    %get3A_55 = vector.shape_cast %get3A_54 : vector<16xi32> to vector<16xi32>
    %add3A_56 = arith.addi %add3A_52, %get3A_55 : vector<16xi32>
    %swap3A = arith.constant 0 : index
    %swap3A_57 = tpu.vector_load %arg6[%swap3A] {strides = array<i32>} : memref<64xi32, #tpu.memory_space<vmem>>, vector<16xi32>,
    %swap3A_58 = vector.shape_cast %swap3A_57 : vector<16xi32> to vector<16xi32>
    %swap3A_59 = vector.shape_cast %add3A_56 : vector<16xi32> to vector<16xi32>
    tpu.vector_store %arg6[%swap3A], %swap3A_59 {strides = array<i32>} : memref<64xi32, #tpu.memory_space<vmem>>, vector<16xi32>,
    %get3A_60 = arith.constant 16 : index
    %get3A_61 = tpu.vector_load %arg5[%get3A_60] {strides = array<i32>} : memref<192xi32, #tpu.memory_space<vmem>>, vector<16xi32>,
    %get3A_62 = vector.shape_cast %get3A_61 : vector<16xi32> to vector<16xi32>
    %mul3A_63 = arith.constant 6 : i32
    %mul3A_64 = vector.broadcast %mul3A_63 : i32 to vector<16xi32>
    %mul3A_65 = arith.muli %get3A_62, %mul3A_64 : vector<16xi32>
    %get3A_66 = arith.constant 80 : index
    %get3A_67 = tpu.vector_load %arg5[%get3A_66] {strides = array<i32>} : memref<192xi32, #tpu.memory_space<vmem>>, vector<16xi32>,
    %get3A_68 = vector.shape_cast %get3A_67 : vector<16xi32> to vector<16xi32>
    %mul3A_69 = arith.constant 3 : i32
    %mul3A_70 = vector.broadcast %mul3A_69 : i32 to vector<16xi32>
    %mul3A_71 = arith.muli %get3A_68, %mul3A_70 : vector<16xi32>
    %add3A_72 = arith.addi %mul3A_65, %mul3A_71 : vector<16xi32>
    %get3A_73 = arith.constant 144 : index
    %get3A_74 = tpu.vector_load %arg5[%get3A_73] {strides = array<i32>} : memref<192xi32, #tpu.memory_space<vmem>>, vector<16xi32>,
    %get3A_75 = vector.shape_cast %get3A_74 : vector<16xi32> to vector<16xi32>
    %add3A_76 = arith.addi %add3A_72, %get3A_75 : vector<16xi32>
    %swap3A_77 = arith.constant 16 : index
    %swap3A_78 = tpu.vector_load %arg6[%swap3A_77] {strides = array<i32>} : memref<64xi32, #tpu.memory_space<vmem>>, vector<16xi32>,
    %swap3A_79 = vector.shape_cast %swap3A_78 : vector<16xi32> to vector<16xi32>
    %swap3A_80 = vector.shape_cast %add3A_76 : vector<16xi32> to vector<16xi32>
    tpu.vector_store %arg6[%swap3A_77], %swap3A_80 {strides = array<i32>} : memref<64xi32, #tpu.memory_space<vmem>>, vector<16xi32>,
    %get3A_81 = arith.constant 32 : index
    %get3A_82 = tpu.vector_load %arg5[%get3A_81] {strides = array<i32>} : memref<192xi32, #tpu.memory_space<vmem>>, vector<16xi32>,
    %get3A_83 = vector.shape_cast %get3A_82 : vector<16xi32> to vector<16xi32>
    %mul3A_84 = arith.constant 6 : i32
    %mul3A_85 = vector.broadcast %mul3A_84 : i32 to vector<16xi32>
    %mul3A_86 = arith.muli %get3A_83, %mul3A_85 : vector<16xi32>
    %get3A_87 = arith.constant 96 : index
    %get3A_88 = tpu.vector_load %arg5[%get3A_87] {strides = array<i32>} : memref<192xi32, #tpu.memory_space<vmem>>, vector<16xi32>,
    %get3A_89 = vector.shape_cast %get3A_88 : vector<16xi32> to vector<16xi32>
    %mul3A_90 = arith.constant 3 : i32
    %mul3A_91 = vector.broadcast %mul3A_90 : i32 to vector<16xi32>
    %mul3A_92 = arith.muli %get3A_89, %mul3A_91 : vector<16xi32>
    %add3A_93 = arith.addi %mul3A_86, %mul3A_92 : vector<16xi32>
    %get3A_94 = arith.constant 160 : index
    %get3A_95 = tpu.vector_load %arg5[%get3A_94] {strides = array<i32>} : memref<192xi32, #tpu.memory_space<vmem>>, vector<16xi32>,
    %get3A_96 = vector.shape_cast %get3A_95 : vector<16xi32> to vector<16xi32>
    %add3A_97 = arith.addi %add3A_93, %get3A_96 : vector<16xi32>
    %swap3A_98 = arith.constant 32 : index
    %swap3A_99 = tpu.vector_load %arg6[%swap3A_98] {strides = array<i32>} : memref<64xi32, #tpu.memory_space<vmem>>, vector<16xi32>,
    %swap3A_100 = vector.shape_cast %swap3A_99 : vector<16xi32> to vector<16xi32>
    %swap3A_101 = vector.shape_cast %add3A_97 : vector<16xi32> to vector<16xi32>
    tpu.vector_store %arg6[%swap3A_98], %swap3A_101 {strides = array<i32>} : memref<64xi32, #tpu.memory_space<vmem>>, vector<16xi32>,
    %get3A_102 = arith.constant 48 : index
    %get3A_103 = tpu.vector_load %arg5[%get3A_102] {strides = array<i32>} : memref<192xi32, #tpu.memory_space<vmem>>, vector<16xi32>,
    %get3A_104 = vector.shape_cast %get3A_103 : vector<16xi32> to vector<16xi32>
    %mul3A_105 = arith.constant 6 : i32
    %mul3A_106 = vector.broadcast %mul3A_105 : i32 to vector<16xi32>
    %mul3A_107 = arith.muli %get3A_104, %mul3A_106 : vector<16xi32>
    %get3A_108 = arith.constant 112 : index
    %get3A_109 = tpu.vector_load %arg5[%get3A_108] {strides = array<i32>} : memref<192xi32, #tpu.memory_space<vmem>>, vector<16xi32>,
    %get3A_110 = vector.shape_cast %get3A_109 : vector<16xi32> to vector<16xi32>
    %mul3A_111 = arith.constant 3 : i32
    %mul3A_112 = vector.broadcast %mul3A_111 : i32 to vector<16xi32>
    %mul3A_113 = arith.muli %get3A_110, %mul3A_112 : vector<16xi32>
    %add3A_114 = arith.addi %mul3A_107, %mul3A_113 : vector<16xi32>
    %get3A_115 = arith.constant 176 : index
    %get3A_116 = tpu.vector_load %arg5[%get3A_115] {strides = array<i32>} : memref<192xi32, #tpu.memory_space<vmem>>, vector<16xi32>,
    %get3A_117 = vector.shape_cast %get3A_116 : vector<16xi32> to vector<16xi32>
    %add3A_118 = arith.addi %add3A_114, %get3A_117 : vector<16xi32>
    %swap3A_119 = arith.constant 48 : index
    %swap3A_120 = tpu.vector_load %arg6[%swap3A_119] {strides = array<i32>} : memref<64xi32, #tpu.memory_space<vmem>>, vector<16xi32>,
    %swap3A_121 = vector.shape_cast %swap3A_120 : vector<16xi32> to vector<16xi32>
    %swap3A_122 = vector.shape_cast %add3A_118 : vector<16xi32> to vector<16xi32>
    tpu.vector_store %arg6[%swap3A_119], %swap3A_122 {strides = array<i32>} : memref<64xi32, #tpu.memory_space<vmem>>, vector<16xi32>,
    %dma_start3A_123 = arith.constant 0 : i32
    %dma_start3A_124 = arith.constant 0 : i32
    %dma_start3A_125 = tpu.memref_slice %arg2[%dma_start3A_123, %dma_start3A_124] : memref<12x128xf32, #tpu.memory_space<hbm>> -> memref<12x128xf32, #tpu.memory_space<hbm>>
    tpu.enqueue_indirect_dma source(%dma_start3A_125 : memref<12x128xf32, #tpu.memory_space<hbm>>) target(%arg7 : memref<64x128xf32, #tpu.memory_space<vmem>>) offsets(%arg6 : memref<64xi32, #tpu.memory_space<vmem>>) semaphore(%arg8 : memref<!tpu.dma_semaphore, #tpu.memory_space<semaphore_mem>>)
    %dma_wait3A_126 = arith.constant 0 : i32
    %dma_wait3A_127 = arith.constant 0 : i32
    %dma_wait3A_128 = tpu.memref_slice %arg2[%dma_wait3A_126, %dma_wait3A_127] : memref<12x128xf32, #tpu.memory_space<hbm>> -> memref<12x128xf32, #tpu.memory_space<hbm>>
    tpu.wait_indirect_dma semaphore(%arg8 : memref<!tpu.dma_semaphore, #tpu.memory_space<semaphore_mem>>) src(%dma_wait3A_128 : memref<12x128xf32, #tpu.memory_space<hbm>>) dst(%arg7 : memref<64x128xf32, #tpu.memory_space<vmem>>)
    "tpu.region"() ({
      %run_scoped3A = tpu.sem_alloc : memref<!tpu.dma_semaphore, #tpu.memory_space<semaphore_mem>>
      %dma_start3A_129 = arith.constant 0 : i32
      %dma_start3A_130 = tpu.memref_slice %arg4[%mul3A_2, %dma_start3A_129] : memref<2048x128xf32, #tpu.memory_space<hbm>> -> memref<64x128xf32, #tpu.memory_space<hbm>>
      %dma_start3A_131 = arith.constant 0 : i32
      %dma_start3A_132 = tpu.memref_slice %arg4[%mul3A_2, %dma_start3A_131] : memref<2048x128xf32, #tpu.memory_space<hbm>> -> memref<64x128xf32, #tpu.memory_space<hbm>>
      tpu.enqueue_dma source(%arg7 : memref<64x128xf32, #tpu.memory_space<vmem>>) target(%dma_start3A_132 : memref<64x128xf32, #tpu.memory_space<hbm>>) target_semaphore(%run_scoped3A : memref<!tpu.dma_semaphore, #tpu.memory_space<semaphore_mem>>)
      %dma_wait3A_133 = arith.constant 0 : i32
      %dma_wait3A_134 = tpu.memref_slice %arg4[%mul3A_2, %dma_wait3A_133] : memref<2048x128xf32, #tpu.memory_space<hbm>> -> memref<64x128xf32, #tpu.memory_space<hbm>>
      %dma_wait3A_135 = arith.constant 0 : i32
      %dma_wait3A_136 = tpu.memref_slice %arg4[%mul3A_2, %dma_wait3A_135] : memref<2048x128xf32, #tpu.memory_space<hbm>> -> memref<64x128xf32, #tpu.memory_space<hbm>>
      tpu.wait_dma2 semaphore(%run_scoped3A : memref<!tpu.dma_semaphore, #tpu.memory_space<semaphore_mem>>) src(%arg7 : memref<64x128xf32, #tpu.memory_space<vmem>>) dst(%dma_wait3A_136 : memref<64x128xf32, #tpu.memory_space<hbm>>)
      tpu.yield
    }) : () -> ()
    return
  }
}

module attributes {stable_mosaic.version = 14 : i64} {
  func.func @_mlp_body(%arg0: i32, %arg1: memref<128x128x6xbf16, #tpu.memory_space<vmem>>, %arg2: memref<128x3xbf16, #tpu.memory_space<vmem>>, %arg3: memref<128x128xbf16, #tpu.memory_space<vmem>>, %arg4: memref<128x128xf32, #tpu.memory_space<vmem>>, %arg5: memref<6x128xbf16, #tpu.memory_space<vmem>>, %arg6: memref<1x128xbf16, #tpu.memory_space<vmem>>, %arg7: memref<128x256xbf16, #tpu.memory_space<vmem>>, %arg8: memref<1x256xbf16, #tpu.memory_space<vmem>>, %arg9: memref<256x256xbf16, #tpu.memory_space<vmem>>, %arg10: memref<256x256xbf16, #tpu.memory_space<vmem>>, %arg11: memref<1x256xbf16, #tpu.memory_space<vmem>>, %arg12: memref<256x128xbf16, #tpu.memory_space<vmem>>, %arg13: memref<1x128xbf16, #tpu.memory_space<vmem>>, %arg14: memref<128x128xf32, #tpu.memory_space<vmem>>) attributes {dimension_semantics = [#tpu.dimension_semantics<parallel>], iteration_bounds = array<i64: 16>, scalar_prefetch = 0 : i64, scratch_operands = 0 : i64, tpu.core_type = #tpu.core_type<tc>, window_params = [{transform_indices = @transform_0, window_bounds = array<i64: 128, 128, 6>}, {transform_indices = @transform_1, window_bounds = array<i64: 128, 3>}, {transform_indices = @transform_2, window_bounds = array<i64: 128, 128>}, {transform_indices = @transform_3, window_bounds = array<i64: 128, 128>}, {pipeline_mode = #tpu.pipeline_mode<synchronous>, transform_indices = @transform_4, window_bounds = array<i64: 6, 128>}, {pipeline_mode = #tpu.pipeline_mode<synchronous>, transform_indices = @transform_5, window_bounds = array<i64: 1, 128>}, {pipeline_mode = #tpu.pipeline_mode<synchronous>, transform_indices = @transform_6, window_bounds = array<i64: 128, 256>}, {pipeline_mode = #tpu.pipeline_mode<synchronous>, transform_indices = @transform_7, window_bounds = array<i64: 1, 256>}, {pipeline_mode = #tpu.pipeline_mode<synchronous>, transform_indices = @transform_8, window_bounds = array<i64: 256, 256>}, {pipeline_mode = #tpu.pipeline_mode<synchronous>, transform_indices = @transform_9, window_bounds = array<i64: 256, 256>}, {pipeline_mode = #tpu.pipeline_mode<synchronous>, transform_indices = @transform_10, window_bounds = array<i64: 1, 256>}, {pipeline_mode = #tpu.pipeline_mode<synchronous>, transform_indices = @transform_11, window_bounds = array<i64: 256, 128>}, {pipeline_mode = #tpu.pipeline_mode<synchronous>, transform_indices = @transform_12, window_bounds = array<i64: 1, 128>}, {transform_indices = @transform_13, window_bounds = array<i64: 128, 128>}]} {
    %get3A = arith.constant 0 : index
    %get3A_0 = arith.constant 0 : index
    %get3A_1 = arith.constant 0 : index
    %get3A_2 = vector.load %arg1[%get3A, %get3A_0, %get3A_1] : memref<128x128x6xbf16, #tpu.memory_space<vmem>>, vector<128x128x6xbf16>
    %reshape3A = vector.shape_cast %get3A_2 : vector<128x128x6xbf16> to vector<16384x6xbf16>
    %get3A_3 = arith.constant 0 : index
    %get3A_4 = arith.constant 0 : index
    %get3A_5 = vector.load %arg5[%get3A_3, %get3A_4] : memref<6x128xbf16, #tpu.memory_space<vmem>>, vector<6x128xbf16>
    %dot_general3A = arith.constant dense<0.000000e+00> : vector<16384x128xf32>
    %dot_general3A_6 = tpu.matmul %reshape3A, %get3A_5, %dot_general3A {dimension_numbers = #tpu.dot_dimension_numbers<[1], [0], [0], [1], [0, 0, 1, 1], [], []>, transpose_lhs_hint = false} : vector<16384x6xbf16>, vector<6x128xbf16>, vector<16384x128xf32> -> vector<16384x128xf32>
    %convert_element_type3A = arith.truncf %dot_general3A_6 : vector<16384x128xf32> to vector<16384x128xbf16>
    %get3A_7 = arith.constant 0 : index
    %get3A_8 = arith.constant 0 : index
    %get3A_9 = vector.load %arg6[%get3A_7, %get3A_8] : memref<1x128xbf16, #tpu.memory_space<vmem>>, vector<1x128xbf16>
    %get3A_10 = arith.constant 0 : index
    %get3A_11 = arith.constant 0 : index
    %get3A_12 = vector.load %arg2[%get3A_10, %get3A_11] : memref<128x3xbf16, #tpu.memory_space<vmem>>, vector<128x3xbf16>
    %get3A_13 = arith.constant 0 : index
    %get3A_14 = arith.constant 0 : index
    %get3A_15 = vector.load %arg5[%get3A_13, %get3A_14] : memref<6x128xbf16, #tpu.memory_space<vmem>>, vector<3x128xbf16>
    %dot_general3A_16 = arith.constant dense<0.000000e+00> : vector<128x128xf32>
    %dot_general3A_17 = tpu.matmul %get3A_12, %get3A_15, %dot_general3A_16 {dimension_numbers = #tpu.dot_dimension_numbers<[1], [0], [0], [1], [0, 0, 1, 1], [], []>, transpose_lhs_hint = false} : vector<128x3xbf16>, vector<3x128xbf16>, vector<128x128xf32> -> vector<128x128xf32>
    %convert_element_type3A_18 = arith.truncf %dot_general3A_17 : vector<128x128xf32> to vector<128x128xbf16>
    %sub3A = vector.broadcast %get3A_9 : vector<1x128xbf16> to vector<128x128xbf16>
    %sub3A_19 = arith.subf %sub3A, %convert_element_type3A_18 : vector<128x128xbf16>
    %reshape3A_20 = vector.shape_cast %convert_element_type3A : vector<16384x128xbf16> to vector<128x128x128xbf16>
    %broadcast_in_dim3A = vector.shape_cast %sub3A_19 : vector<128x128xbf16> to vector<128x1x128xbf16>
    %add3A = vector.broadcast %broadcast_in_dim3A : vector<128x1x128xbf16> to vector<128x128x128xbf16>
    %add3A_21 = arith.addf %reshape3A_20, %add3A : vector<128x128x128xbf16>
    %max3A = arith.constant 0.000000e+00 : bf16
    %max3A_22 = vector.broadcast %max3A : bf16 to vector<128x128x128xbf16>
    %max3A_23 = arith.maximumf %add3A_21, %max3A_22 : vector<128x128x128xbf16>
    %reshape3A_24 = vector.shape_cast %max3A_23 : vector<128x128x128xbf16> to vector<16384x128xbf16>
    %get3A_25 = arith.constant 0 : index
    %get3A_26 = arith.constant 0 : index
    %get3A_27 = vector.load %arg7[%get3A_25, %get3A_26] : memref<128x256xbf16, #tpu.memory_space<vmem>>, vector<128x256xbf16>
    %dot_general3A_28 = arith.constant dense<0.000000e+00> : vector<16384x256xf32>
    %dot_general3A_29 = tpu.matmul %reshape3A_24, %get3A_27, %dot_general3A_28 {dimension_numbers = #tpu.dot_dimension_numbers<[1], [0], [0], [1], [0, 0, 1, 1], [], []>, transpose_lhs_hint = false} : vector<16384x128xbf16>, vector<128x256xbf16>, vector<16384x256xf32> -> vector<16384x256xf32>
    %convert_element_type3A_30 = arith.truncf %dot_general3A_29 : vector<16384x256xf32> to vector<16384x256xbf16>
    %get3A_31 = arith.constant 0 : index
    %get3A_32 = arith.constant 0 : index
    %get3A_33 = vector.load %arg8[%get3A_31, %get3A_32] : memref<1x256xbf16, #tpu.memory_space<vmem>>, vector<1x256xbf16>
    %add3A_34 = vector.broadcast %get3A_33 : vector<1x256xbf16> to vector<16384x256xbf16>
    %add3A_35 = arith.addf %convert_element_type3A_30, %add3A_34 : vector<16384x256xbf16>
    %get3A_36 = arith.constant 0 : index
    %get3A_37 = arith.constant 0 : index
    %get3A_38 = vector.load %arg3[%get3A_36, %get3A_37] : memref<128x128xbf16, #tpu.memory_space<vmem>>, vector<128x128xbf16>
    %reshape3A_39 = vector.shape_cast %add3A_35 : vector<16384x256xbf16> to vector<128x128x256xbf16>
    %broadcast_in_dim3A_40 = vector.shape_cast %get3A_38 : vector<128x128xbf16> to vector<128x128x1xbf16>
    %mul3A = vector.broadcast %broadcast_in_dim3A_40 : vector<128x128x1xbf16> to vector<128x128x256xbf16>
    %mul3A_41 = arith.mulf %reshape3A_39, %mul3A : vector<128x128x256xbf16>
    %reduce_max3A = arith.constant dense<0xFF80> : vector<128x256xbf16>
    %reduce_max3A_42 = vector.multi_reduction <maximumf>, %mul3A_41, %reduce_max3A [1] : vector<128x128x256xbf16> to vector<128x256xbf16>
    %reshape3A_43 = vector.shape_cast %mul3A_41 : vector<128x128x256xbf16> to vector<16384x256xbf16>
    %get3A_44 = arith.constant 0 : index
    %get3A_45 = arith.constant 0 : index
    %get3A_46 = vector.load %arg9[%get3A_44, %get3A_45] : memref<256x256xbf16, #tpu.memory_space<vmem>>, vector<256x256xbf16>
    %dot_general3A_47 = arith.constant dense<0.000000e+00> : vector<16384x256xf32>
    %dot_general3A_48 = tpu.matmul %reshape3A_43, %get3A_46, %dot_general3A_47 {dimension_numbers = #tpu.dot_dimension_numbers<[1], [0], [0], [1], [0, 0, 1, 1], [], []>, transpose_lhs_hint = false} : vector<16384x256xbf16>, vector<256x256xbf16>, vector<16384x256xf32> -> vector<16384x256xf32>
    %convert_element_type3A_49 = arith.truncf %dot_general3A_48 : vector<16384x256xf32> to vector<16384x256xbf16>
    %get3A_50 = arith.constant 0 : index
    %get3A_51 = arith.constant 0 : index
    %get3A_52 = vector.load %arg10[%get3A_50, %get3A_51] : memref<256x256xbf16, #tpu.memory_space<vmem>>, vector<256x256xbf16>
    %dot_general3A_53 = arith.constant dense<0.000000e+00> : vector<128x256xf32>
    %dot_general3A_54 = tpu.matmul %reduce_max3A_42, %get3A_52, %dot_general3A_53 {dimension_numbers = #tpu.dot_dimension_numbers<[1], [0], [0], [1], [0, 0, 1, 1], [], []>, transpose_lhs_hint = false} : vector<128x256xbf16>, vector<256x256xbf16>, vector<128x256xf32> -> vector<128x256xf32>
    %convert_element_type3A_55 = arith.truncf %dot_general3A_54 : vector<128x256xf32> to vector<128x256xbf16>
    %get3A_56 = arith.constant 0 : index
    %get3A_57 = arith.constant 0 : index
    %get3A_58 = vector.load %arg11[%get3A_56, %get3A_57] : memref<1x256xbf16, #tpu.memory_space<vmem>>, vector<1x256xbf16>
    %add3A_59 = vector.broadcast %get3A_58 : vector<1x256xbf16> to vector<128x256xbf16>
    %add3A_60 = arith.addf %convert_element_type3A_55, %add3A_59 : vector<128x256xbf16>
    %reshape3A_61 = vector.shape_cast %convert_element_type3A_49 : vector<16384x256xbf16> to vector<128x128x256xbf16>
    %broadcast_in_dim3A_62 = vector.shape_cast %add3A_60 : vector<128x256xbf16> to vector<128x1x256xbf16>
    %add3A_63 = vector.broadcast %broadcast_in_dim3A_62 : vector<128x1x256xbf16> to vector<128x128x256xbf16>
    %add3A_64 = arith.addf %reshape3A_61, %add3A_63 : vector<128x128x256xbf16>
    %max3A_65 = arith.constant 0.000000e+00 : bf16
    %max3A_66 = vector.broadcast %max3A_65 : bf16 to vector<128x128x256xbf16>
    %max3A_67 = arith.maximumf %add3A_64, %max3A_66 : vector<128x128x256xbf16>
    %reshape3A_68 = vector.shape_cast %max3A_67 : vector<128x128x256xbf16> to vector<16384x256xbf16>
    %get3A_69 = arith.constant 0 : index
    %get3A_70 = arith.constant 0 : index
    %get3A_71 = vector.load %arg12[%get3A_69, %get3A_70] : memref<256x128xbf16, #tpu.memory_space<vmem>>, vector<256x128xbf16>
    %dot_general3A_72 = arith.constant dense<0.000000e+00> : vector<16384x128xf32>
    %dot_general3A_73 = tpu.matmul %reshape3A_68, %get3A_71, %dot_general3A_72 {dimension_numbers = #tpu.dot_dimension_numbers<[1], [0], [0], [1], [0, 0, 1, 1], [], []>, transpose_lhs_hint = false} : vector<16384x256xbf16>, vector<256x128xbf16>, vector<16384x128xf32> -> vector<16384x128xf32>
    %convert_element_type3A_74 = arith.truncf %dot_general3A_73 : vector<16384x128xf32> to vector<16384x128xbf16>
    %get3A_75 = arith.constant 0 : index
    %get3A_76 = arith.constant 0 : index
    %get3A_77 = vector.load %arg13[%get3A_75, %get3A_76] : memref<1x128xbf16, #tpu.memory_space<vmem>>, vector<1x128xbf16>
    %add3A_78 = vector.broadcast %get3A_77 : vector<1x128xbf16> to vector<16384x128xbf16>
    %add3A_79 = arith.addf %convert_element_type3A_74, %add3A_78 : vector<16384x128xbf16>
    %reshape3A_80 = vector.shape_cast %add3A_79 : vector<16384x128xbf16> to vector<128x128x128xbf16>
    %broadcast_in_dim3A_81 = vector.shape_cast %get3A_38 : vector<128x128xbf16> to vector<128x128x1xbf16>
    %mul3A_82 = vector.broadcast %broadcast_in_dim3A_81 : vector<128x128x1xbf16> to vector<128x128x128xbf16>
    %mul3A_83 = arith.mulf %reshape3A_80, %mul3A_82 : vector<128x128x128xbf16>
    %reduce_max3A_84 = arith.constant dense<0xFF80> : vector<128x128xbf16>
    %reduce_max3A_85 = vector.multi_reduction <maximumf>, %mul3A_83, %reduce_max3A_84 [1] : vector<128x128x128xbf16> to vector<128x128xbf16>
    %convert_element_type3A_86 = arith.extf %reduce_max3A_85 : vector<128x128xbf16> to vector<128x128xf32>
    %get3A_87 = arith.constant 0 : index
    %get3A_88 = arith.constant 0 : index
    %get3A_89 = vector.load %arg4[%get3A_87, %get3A_88] : memref<128x128xf32, #tpu.memory_space<vmem>>, vector<128x128xf32>
    %add3A_90 = arith.addf %convert_element_type3A_86, %get3A_89 : vector<128x128xf32>
    %swap3A = arith.constant 0 : index
    %swap3A_91 = arith.constant 0 : index
    %swap3A_92 = vector.load %arg14[%swap3A, %swap3A_91] : memref<128x128xf32, #tpu.memory_space<vmem>>, vector<128x128xf32>
    tpu.vector_store %arg14[%swap3A, %swap3A_91], %add3A_90 {strides = array<i32>} : memref<128x128xf32, #tpu.memory_space<vmem>>, vector<128x128xf32>,
    return
  }
  func.func @transform_0(%arg0: i32) -> (i32, i32, i32) {
    %c0_i32 = arith.constant 0 : i32
    %c0_i32_0 = arith.constant 0 : i32
    %c0_i32_1 = arith.constant 0 : i32
    return %arg0, %c0_i32, %c0_i32_0 : i32, i32, i32
  }
  func.func @transform_1(%arg0: i32) -> (i32, i32) {
    %c0_i32 = arith.constant 0 : i32
    %c0_i32_0 = arith.constant 0 : i32
    return %arg0, %c0_i32 : i32, i32
  }
  func.func @transform_2(%arg0: i32) -> (i32, i32) {
    %c0_i32 = arith.constant 0 : i32
    %c0_i32_0 = arith.constant 0 : i32
    return %arg0, %c0_i32 : i32, i32
  }
  func.func @transform_3(%arg0: i32) -> (i32, i32) {
    %c0_i32 = arith.constant 0 : i32
    %c0_i32_0 = arith.constant 0 : i32
    return %arg0, %c0_i32 : i32, i32
  }
  func.func @transform_4(%arg0: i32) -> (i32, i32) {
    %c0_i32 = arith.constant 0 : i32
    %c0_i32_0 = arith.constant 0 : i32
    %c0_i32_1 = arith.constant 0 : i32
    return %c0_i32, %c0_i32_0 : i32, i32
  }
  func.func @transform_5(%arg0: i32) -> (i32, i32) {
    %c0_i32 = arith.constant 0 : i32
    %c0_i32_0 = arith.constant 0 : i32
    %c0_i32_1 = arith.constant 0 : i32
    return %c0_i32, %c0_i32_0 : i32, i32
  }
  func.func @transform_6(%arg0: i32) -> (i32, i32) {
    %c0_i32 = arith.constant 0 : i32
    %c0_i32_0 = arith.constant 0 : i32
    %c0_i32_1 = arith.constant 0 : i32
    return %c0_i32, %c0_i32_0 : i32, i32
  }
  func.func @transform_7(%arg0: i32) -> (i32, i32) {
    %c0_i32 = arith.constant 0 : i32
    %c0_i32_0 = arith.constant 0 : i32
    %c0_i32_1 = arith.constant 0 : i32
    return %c0_i32, %c0_i32_0 : i32, i32
  }
  func.func @transform_8(%arg0: i32) -> (i32, i32) {
    %c0_i32 = arith.constant 0 : i32
    %c0_i32_0 = arith.constant 0 : i32
    %c0_i32_1 = arith.constant 0 : i32
    return %c0_i32, %c0_i32_0 : i32, i32
  }
  func.func @transform_9(%arg0: i32) -> (i32, i32) {
    %c0_i32 = arith.constant 0 : i32
    %c0_i32_0 = arith.constant 0 : i32
    %c0_i32_1 = arith.constant 0 : i32
    return %c0_i32, %c0_i32_0 : i32, i32
  }
  func.func @transform_10(%arg0: i32) -> (i32, i32) {
    %c0_i32 = arith.constant 0 : i32
    %c0_i32_0 = arith.constant 0 : i32
    %c0_i32_1 = arith.constant 0 : i32
    return %c0_i32, %c0_i32_0 : i32, i32
  }
  func.func @transform_11(%arg0: i32) -> (i32, i32) {
    %c0_i32 = arith.constant 0 : i32
    %c0_i32_0 = arith.constant 0 : i32
    %c0_i32_1 = arith.constant 0 : i32
    return %c0_i32, %c0_i32_0 : i32, i32
  }
  func.func @transform_12(%arg0: i32) -> (i32, i32) {
    %c0_i32 = arith.constant 0 : i32
    %c0_i32_0 = arith.constant 0 : i32
    %c0_i32_1 = arith.constant 0 : i32
    return %c0_i32, %c0_i32_0 : i32, i32
  }
  func.func @transform_13(%arg0: i32) -> (i32, i32) {
    %c0_i32 = arith.constant 0 : i32
    %c0_i32_0 = arith.constant 0 : i32
    return %arg0, %c0_i32 : i32, i32
  }
}

</mosaic_0001>

<sc_bundles>
// kernel: kernel.4.cloned.1.call-start
scs
__scs_entry_jumppad:
0x0: {  	(pc) =	sbr.rel $0x88, $3  }
0x1: {  	(tag) =	ssettag $0x0;
	lr =	simm.s32 $0x1  }
0x2: {  	[smem:$0x3F8B] =	sst lr;
	_ =	strace $0xD0000000  }
0x3: {  	_ = 	snop  }
0x4: {  	_ = 	snop  }
0x5: {  	_ = 	snop  }
0x6: {  	_ = 	snop  }
0x7: {  	_ = 	snop  }
__scs_overlays_trampoline_lowered:
0x8: {  	[smem:$0x3F9A] =	sst s0  }
0x9: {  	[smem:$0x3F9B] =	sst s1  }
0xa: {  	[smem:$0x3F9C] =	sst s2  }
0xb: {  	[smem:$0x3F9D] =	sst s3  }
0xc: {  	[smem:$0x3F9E] =	sst s4  }
0xd: {  	[smem:$0x3F9F] =	sst s5  }
0xe: {  	[smem:$0x3FA0] =	sst s6  }
0xf: {  	[smem:$0x3FA1] =	sst s7  }
0x10: {  	[smem:$0x3FA2] =	sst s8  }
0x11: {  	[smem:$0x3FA3] =	sst s9;
	s0 =	simm.s32 @!p0 $0x0  }
0x12: {  	s1 =	sld [smem:$0x3F89];
	s0 =	simm.s32 @p0 $0x1  }
0x13: {  	[smem:$0x3FA4] =	sst s0;
	s0 =	simm.s32 @!p1 $0x0  }
0x14: {  	s2 =	sld [smem:$0x3F88];
	s0 =	simm.s32 @p1 $0x1  }
0x15: {  	[smem:$0x3FA5] =	sst s0;
	s0 =	simm.s32 @!p2 $0x0  }
0x16: {  	s3 =	sld [smem:$0x3FDB];
	s0 =	simm.s32 @p2 $0x1  }
0x17: {  	s4 =	simm.s32 $0x1BF5;
	[smem:$0x3FA7] =	sst s0  }
0x18: {  	s0 =	sld [smem:$0x3F8A];
	_ =	swait.ge [sflag:s4], $0x0  }
0x19: {  	s7 =	sld [smem:$0x3F8B]  }
0x1a: {  	s8 =	sadd.s32 $0xFFFFE003, lr  }
0x1b: {  	s9 =	sadd.s32 $0xFFFFFEF7, lr;
	s5 =	simm.s32 $0xFFFFFFFF;
	p2 =	slt.u32 s8, $0xFFFFF086  }
0x1c: {  	p1 =	slt.u32 s9, $0xF7A;
	s5 =	simm.s32 @!p2 $0x0  }
0x1d: {  	s5 =	simm.s32 @p1 $0x1;
	p0 =	seq.s32 s7, s2  }
0x1e: {  	s7 =	smul.u32 @!p0 $0xF7A, s2;
	p2 =	seq.s32 @!p0 s5, $0x0  }
0x1f: {  	s9 =	smul.u32 $0xF7A, s1;
	s8 =	simm.s32 @!p0 $0x1BF5;
	p2 =	por !p2, p0  }
0x20: {  	[sflag:s8] =	ssyncset.s32 @!p0 $0xFFFFF086;
	s6 =	sadd.s32 @!p0 s3, s7;
	s7 =	simm.s32 @!p0 $0x108  }
0x21: {  	s3 =	sadd.s32 s3, s9;
	s6 =	sadd.s32 @!p0 $0x88, s6;
	s7 =	simm.s32 @p2 $0x1082  }
0x22: {  	[simem:s7], [sflag:s8] =	dma.local @!p0 [hbm:s6], $0xF7A  }
0x23: {  	s9 =	sor.u32 $0xD0000000, s2;
	s6 =	simm.s32 $0x108;
	_ =	swait.ge @!p0 [sflag:s8], $0x0  }
0x24: {  	s3 =	sadd.s32 $0x88, s3;
	s6 =	simm.s32 @!p1 $0x1082;
	[sflag:s4] =	ssyncset.s32 $0xFFFFF086  }
0x25: {  	[simem:s6], [sflag:s4] =	dma.local [hbm:s3], $0xF7A  }
0x26: {  	[smem:$0x3F8B] =	sst s1;
	(tag) =	ssettag s2;
	_ =	strace s9  }
0x27: {  	s1 =	sld [smem:$0x3F9B]  }
0x28: {  	s2 =	sld [smem:$0x3F9C]  }
0x29: {  	s4 =	sld [smem:$0x3F9E]  }
0x2a: {  	p0 =	seq.s32 s5, $0x0;
	s5 =	sld [smem:$0x3F9F]  }
0x2b: {  	s6 =	sld [smem:$0x3FA0]  }
0x2c: {  	s7 =	sld [smem:$0x3FA1]  }
0x2d: {  	s3 =	simm.s32 $0x108;
	s8 =	sld [smem:$0x3FA2]  }
0x2e: {  	s3 =	simm.s32 @!p0 $0x1082;
	s9 =	sld [smem:$0x3FA3]  }
0x2f: {  	lr =	sadd.s32 s0, s3;
	s0 =	sld [smem:$0x3F9A]  }
0x30: {  	s3 =	sld [smem:$0x3F9D]  }
0x31: {  	[smem:$0x3FA6] =	sst s10  }
0x32: {  	s10 =	sld [smem:$0x3FA4];
	_ =	sdelay $0x3  }
0x33: {  	p0 =	seq.s32 s10, $0x1;
	s10 =	sld [smem:$0x3FA6];
	_ =	sdelay $0x3  }
0x34: {  	[smem:$0x3FA6] =	sst s10  }
0x35: {  	s10 =	sld [smem:$0x3FA5];
	_ =	sdelay $0x3  }
0x36: {  	p1 =	seq.s32 s10, $0x1;
	s10 =	sld [smem:$0x3FA6];
	_ =	sdelay $0x3  }
0x37: {  	[smem:$0x3FA6] =	sst s10  }
0x38: {  	s10 =	sld [smem:$0x3FA7]  }
0x39: {  	_ = 	snop;
	(pc) =	sbr.ind lr, $3  }
0x3a: {  	_ = 	snop  }
0x3b: {  	_ = 	snop  }
0x3c: {  	p2 =	seq.s32 s10, $0x1;
	s10 =	sld [smem:$0x3FA6]  }
0x3d: {  	_ =	shalt  }
0x3e: {  	_ =	shalt  }
0x3f: {  	_ =	shalt  }
0x40: {  	_ =	shalt  }
0x41: {  	_ =	shalt  }
0x42: {  	_ =	shalt  }
0x43: {  	_ =	shalt  }
0x44: {  	_ =	shalt  }
0x45: {  	_ =	shalt  }
0x46: {  	_ =	shalt  }
0x47: {  	_ =	shalt  }
0x48: {  	_ =	shalt  }
0x49: {  	_ =	shalt  }
0x4a: {  	_ =	shalt  }
0x4b: {  	_ =	shalt  }
0x4c: {  	_ =	shalt  }
0x4d: {  	_ =	shalt  }
0x4e: {  	_ =	shalt  }
0x4f: {  	_ =	shalt  }
0x50: {  	_ =	shalt  }
0x51: {  	_ =	shalt  }
0x52: {  	_ =	shalt  }
0x53: {  	_ =	shalt  }
0x54: {  	_ =	shalt  }
0x55: {  	_ =	shalt  }
0x56: {  	_ =	shalt  }
0x57: {  	_ =	shalt  }
0x58: {  	_ =	shalt  }
0x59: {  	_ =	shalt  }
0x5a: {  	_ =	shalt  }
0x5b: {  	_ =	shalt  }
0x5c: {  	_ =	shalt  }
0x5d: {  	_ =	shalt  }
0x5e: {  	_ =	shalt  }
0x5f: {  	_ =	shalt  }
0x60: {  	_ =	shalt  }
0x61: {  	_ =	shalt  }
0x62: {  	_ =	shalt  }
0x63: {  	_ =	shalt  }
0x64: {  	_ =	shalt  }
0x65: {  	_ =	shalt  }
0x66: {  	_ =	shalt  }
0x67: {  	_ =	shalt  }
0x68: {  	_ =	shalt  }
0x69: {  	_ =	shalt  }
0x6a: {  	_ =	shalt  }
0x6b: {  	_ =	shalt  }
0x6c: {  	_ =	shalt  }
0x6d: {  	_ =	shalt  }
0x6e: {  	_ =	shalt  }
0x6f: {  	_ =	shalt  }
0x70: {  	_ =	shalt  }
0x71: {  	_ =	shalt  }
0x72: {  	_ =	shalt  }
0x73: {  	_ =	shalt  }
0x74: {  	_ =	shalt  }
0x75: {  	_ =	shalt  }
0x76: {  	_ =	shalt  }
0x77: {  	_ =	shalt  }
0x78: {  	_ =	shalt  }
0x79: {  	_ =	shalt  }
0x7a: {  	_ =	shalt  }
0x7b: {  	_ =	shalt  }
0x7c: {  	_ =	shalt  }
0x7d: {  	_ =	shalt  }
0x7e: {  	_ =	shalt  }
0x7f: {  	_ =	shalt  }
0x80: {  	_ =	shalt  }
0x81: {  	_ =	shalt  }
0x82: {  	_ =	shalt  }
0x83: {  	_ =	shalt  }
0x84: {  	_ =	shalt  }
0x85: {  	_ =	shalt  }
0x86: {  	_ =	shalt  }
0x87: {  	_ =	shalt  }
.Lfunc_end0:
.L_simem_size_0:
called_computation_lowered:
.L_overlay_start_0:
0x88: {  	s2 =	sld [smem:$0x3FD9]  }
0x89: {  	s3 =	sld [smem:$0x3FFE];
	_ =	sdelay $0x1  }
0x8a: {  	s1 =	srdreg.scid  }
0x8b: {  	s0 =	sand.u32 $0x1, s1  }
0x8c: {  	s14 =	sshll.u32 s0, $0xA;
	s2 =	sadd.s32 s3, s2  }
0x8d: {  	s2 =	sadd.s32 s2, s14  }
0x8e: {  	[smem:$0x3FB2] =	sst s2  }
0x8f: {  	_ = 	snop  }
0x90: {  	s2 =	sld [smem:$0x3FD0];
	_ =	sdelay $0x2  }
0x91: {  	s15 =	simm.s32 $0xA;
	s4 =	simm.s32 $0x10  }
0x92: {  	[smem:s4], [sflag:s15] =	dma.local [hbm:s2], $0x1  }
0x93: {  	_ =	swait.eq [sflag:s15], $0x1  }
0x94: {  	[sflag:s15] =	ssyncset.done $0x0  }
0x95: {  	s16 =	sld [smem:$0x10];
	[sflag:s15] =	ssyncadd.s32 $0xFFFFFFFF  }
0x96: {  	s17 =	sld [smem:$0x11];
	(tm) =	ssettm $0x1  }
0x97: {  	s18 =	sld [smem:$0x3FFB];
	_ =	sdelay $0x3  }
0x98: {  	_ =	strace s18  }
0x99: {  	s4 =	sld [smem:$0x3FFC];
	_ =	sdelay $0x3  }
0x9a: {  	_ =	strace s4  }
0x9b: {  	s4 =	sld [smem:$0x3FFD];
	_ =	sdelay $0x3  }
0x9c: {  	_ =	strace s4  }
0x9d: {  	_ =	strace $0x8FFFFFFF  }
0x9e: {  	s19 =	sld [smem:$0x3FDB];
	_ =	sdelay $0x1  }
0x9f: {  	s5 =	simm.s32 $_scs_section_size  }
0xa0: {  	s6 =	simm.s32 $_size__tile_overlayer_lowered;
	s7 =	simm.s32 $_tile_overlayer_lowered  }
0xa1: {  	s22 =	simm.s32 $0x1BFF;
	s21 =	sshll.u32 s7, $0x1;
	s4 =	sadd.s32 s5, s19  }
0xa2: {  	s8 =	simm.s32 $0x0;
	s20 =	sshll.u32 s6, $0x1;
	s6 =	sadd.s32 s21, s4  }
0xa3: {  	[timem:s8], [sflag:s22] =	dma.local [hbm:s6], s20  }
0xa4: {  	_ =	swait.ge [sflag:s22], s20  }
0xa5: {  	s5 =	ssub.s32 $0x0, s20;
	[sflag:s22] =	ssyncset.done $0x0  }
0xa6: {  	[sflag:s22] =	ssyncadd.s32 s5;
	_ =	sdelay $0x1  }
0xa7: {  	s23 =	simm.s32 $0x1B8B  }
0xa8: {  	_ =	swait.ge [sflag:s23], $0x1  }
0xa9: {  	[sflag:s23] =	ssyncset.done $0x0  }
0xaa: {  	s25 =	simm.s32 $0x1B8E;
	s24 =	sld [smem:$0x3FFE];
	[sflag:s23] =	ssyncadd.s32 $0xFFFFFFFF  }
0xab: {  	s26 =	simm.s32 $execute0_lowered;
	[smem:$0x3FD2] =	sst s25  }
0xac: {  	s6 =	sshll.u32 s26, $0x1;
	_ =	strace $0x80000046;
	[dreg:$0x1] =	wrdreg $0xFFFFFFFF  }
0xad: {  	s28 =	simm.s32 $_size_execute0_lowered;
	s4 =	sadd.s32 s4, s6;
	[dreg:$0x0] =	wrdreg $0x0  }
0xae: {  	s6 =	sshll.u32 s28, $0x1;
	[dreg:$0x2] =	wrdreg s4  }
0xaf: {  	[dreg:$0x3] =	wrdreg s6  }
0xb0: {  	[dreg:$0x4] =	wrdreg $0xC0  }
0xb1: {  	_ =	task [dreg:s8], $0x5FFFF  }
0xb2: {  	[dreg:$0x1] =	wrdreg $0xFFFFFFFF  }
0xb3: {  	[dreg:$0x0] =	wrdreg $0x60  }
0xb4: {  	[dreg:$0x2] =	wrdreg s24  }
0xb5: {  	[dreg:$0x3] =	wrdreg s17  }
0xb6: {  	[dreg:$0x4] =	wrdreg s16  }
0xb7: {  	[dreg:$0x5] =	wrdreg $0x9  }
0xb8: {  	_ =	task.clear_ibuf [dreg:s8], $0x6FFFF;
	_ =	strace $0x90000046  }
0xb9: {  	s29 =	simm.s32 $0x9;
	_ =	strace $0x80000048  }
0xba: {  	_ =	swait.ge [sflag:s29], $0x1  }
0xbb: {  	[sflag:s29] =	ssyncadd.s32 $0xFFFFFFFF  }
0xbc: {  	_ =	strace $0x90000048  }
0xbd: {  	_ =	sfence  }
0xbe: {  	s30 =	sld [smem:$0x0];
	_ =	sdelay $0x2  }
0xbf: {  	s31 =	sshll.u32 s1, $0xD;
	s1 =	sshrl.u32 s1, $0x2  }
0xc0: {  	s3 =	sand.u32 $0x4000, s31;
	s1 =	sadd.s32 s1, s30  }
0xc1: {  	s0 =	sor.u32 s3, s0;
	s1 =	sshll.u32 s1, $0x11  }
0xc2: {  	s0 =	sor.u32 s1, s0  }
0xc3: {  	s0 =	sadd.s32 $0x8F2B, s0  }
0xc4: {  	[sflag:s0] =	ssyncadd.remote.s32 $0x1  }
0xc5: {  	_ =	sfence.sel $0xFFFF  }
0xc6: {  	[dreg:$0x0] =	wrdreg $0xFFFFFFFF;
	(pc) =	sbr.abs _section_cstart, $3  }
0xc7: {  	[dreg:$0x1] =	wrdreg $0xFFFFFFFF  }
0xc8: {  	_ =	task.clear_ibuf [dreg:s8], $0x2FFFF;
	_ =	strace $0x9FFFFFFF  }
0xc9: {  	(tm) =	ssettm $0x7FFFFFFF  }
tec
execute0_lowered:
.L_overlay_start_1:
0x0: {  	(tag) =	ssettag $0x1  }
0x1: {  	s3 =	rddreg [dreg:$0x0]  }
0x2: {  	s4 =	rddreg [dreg:$0x1]  }
0x3: {  	s5 =	rddreg [dreg:$0x2];
	s6 =	srdreg.scid  }
0x4: {  	s0 =	rddreg [dreg:$0x3];
	s6 =	sand.u32 $0x1, s6  }
0x5: {  	s2 =	simm.s32 $0x0;
	s8 =	sshll.u32 s6, $0x6;
	s6 =	ssub.s32 $0x2, s6  }
0x6: {  	s1 =	stileid.u32;
	s15 =	simm.s32 $0x80;
	s30 =	sshrl.u32 s6, $0x1  }
0x7: {  	s14 =	simm.s32 $0x2;
	s10 =	simm.s32 $0x3;
	s6 =	ssub.s32 s6, s30  }
0x8: {  	p0 =	por $0x0, $0x0;
	[smem:$0x7FF] =	sst s2;
	s16 =	smax.u32 s6, $0x1  }
0x9: {  	s7 =	sshll.u32 s1, $0x7;
	s3 =	sadd.s32 $0x2A00, s3;
	p1 =	sne.s32 s16, $0x1  }
.Ltmp0:
0xa: {  	_ =	strace $0x80000047;
	s7 =	sor.u32 s8, s7;
	(pc) =	sbr.rel @!p1 .LBB2_3-.Ltmp0, $4  }
0xb: {  	s8 =	simm.s32 $0x180;
	s9 =	sshrl.u32 s7, $0x3;
	s31 =	sshll.u32 s7, $0x4  }
0xc: {  	s7 =	simm.s32 $0x4;
	s11 =	sadd.s32 s4, s9;
	s4 =	sadd.s32 s5, s31  }
0xd: {  	s6 =	simm.s32 $0x40;
	s5 =	simm.s32 $0x1;
	s9 =	simm.s32 $0x100  }
0xe: {  	s12 =	sadd.s32 $0x100, s11;
	s13 =	sadd.s32 $0x200, s11;
	s16 =	sadd.s32 $0xFFFFFFFF, s16  }
0xf: {  	[tilespmem:s2], [sflag:$0x1] =	stream.linear.gather [hbm4b:s11+s2], $0x40, $0x38;
	[tilespmem:$0x2180] =	vst v63  }
0x10: {  	_ = 	snop  }
0x11: {  	[tilespmem:s6], [sflag:$0x2] =	stream.linear.gather [hbm4b:s12+s2], $0x40, $0x38;
	[tilespmem:$0x2180] =	vst v63  }
0x12: {  	_ = 	snop  }
0x13: {  	[tilespmem:s15], [sflag:$0x3] =	stream.linear.gather [hbm4b:s13+s2], $0x40, $0x38;
	[tilespmem:$0x2180] =	vst v63  }
0x14: {  	_ =	swait.ge [sflag:s5], $0x40  }
0x15: {  	[sflag:s5] =	ssyncset.done $0x0  }
0x16: {  	[sflag:s5] =	ssyncadd.s32 $0xFFFFFFC0  }
0x17: {  	_ =	swait.ge [sflag:s14], $0x40  }
0x18: {  	[sflag:s14] =	ssyncset.done $0x0  }
0x19: {  	[sflag:s14] =	ssyncadd.s32 $0xFFFFFFC0  }
0x1a: {  	_ =	swait.ge [sflag:s10], $0x40  }
0x1b: {  	[sflag:s10] =	ssyncset.done $0x0  }
0x1c: {  	p1 =	sne.s32 s16, $0x1;
	[sflag:s10] =	ssyncadd.s32 $0xFFFFFFC0  }
.Ltmp1:
0x1d: {  	v2 =	vld [tilespmem:$0x50];
	(pc) =	sbr.rel @!p1 .LBB2_3-.Ltmp1, $4  }
0x1e: {  	v0 =	vld [tilespmem:$0xB0]  }
0x1f: {  	v1 =	vld [tilespmem:$0x10]  }
0x20: {  	v3 =	vld [tilespmem:$0x30]  }
0x21: {  	s16 =	sadd.s32 $0xFFFFFFFF, s16;
	p0 =	por $0x1, $0x1;
	v4 =	vld [tilespmem:$0x70]  }
.LBB2_2:
0x22: {  	p1 =	sne.s32 s16, $0x1;
	s16 =	sadd.s32 $0xFFFFFFFF, s16;
	v5 =	vld [tilespmem:$0x20]  }
0x23: {  	v6 =	vld [tilespmem:$0x0]  }
0x24: {  	v7 =	vld [tilespmem:$0x60]  }
0x25: {  	v8 =	vld [tilespmem:$0x40]  }
0x26: {  	v3 =	vmul.u32 $0x6, v3;
	v9 =	vld [tilespmem:$0x90];
	v4 =	vmul.u32 $0x3, v4  }
0x27: {  	v2 =	vmul.u32 $0x3, v2;
	v5 =	vmul.u32 $0x6, v5;
	v10 =	vld [tilespmem:$0xA0]  }
0x28: {  	v1 =	vmul.u32 $0x6, v1;
	v6 =	vmul.u32 $0x6, v6;
	v11 =	vld [tilespmem:$0x80];
	v3 =	vadd.s32 v3, v4  }
0x29: {  	v4 =	vmul.u32 $0x3, v7;
	v0 =	vadd.s32 v0, v3  }
0x2a: {  	v1 =	vadd.s32 v1, v2;
	v3 =	vmul.u32 $0x3, v8;
	[tilespmem:$0x130] =	vst v0  }
0x2b: {  	v0 =	vadd.s32 v9, v1;
	v1 =	vadd.s32 v5, v4  }
0x2c: {  	v2 =	vadd.s32 v6, v3;
	[tilespmem:$0x110] =	vst v0;
	v0 =	vadd.s32 v10, v1  }
0x2d: {  	v1 =	vadd.s32 v11, v2;
	[tilespmem:$0x120] =	vst v0  }
0x2e: {  	[tilespmem:$0x100] =	vst v1  }
0x2f: {  	[tilespmem:s8], [sflag:$0x1] =	stream.indirect.gather [hbm4b:s3+s6], $0x80, s9, s6, $0xb8;
	[tilespmem:$0x2180] =	vst v63  }
0x30: {  	_ =	swait.ge [sflag:s5], $0x2000  }
0x31: {  	[sflag:s5] =	ssyncset.done $0x0  }
0x32: {  	[sflag:s5] =	ssyncadd.s32 $0xFFFFE000  }
0x33: {  	[hbm4b:s4+s2] =	stream.linear.scatter [tilespmem:s8], [sflag:$0x4], $0x2000, $0x38;
	[tilespmem:$0x2180] =	vst v63  }
0x34: {  	_ =	swait.ge [sflag:s7], $0x2000  }
0x35: {  	[sflag:s7] =	ssyncset.done $0x0  }
0x36: {  	[sflag:s7] =	ssyncadd.s32 $0xFFFFE000  }
0x37: {  	[tilespmem:s2], [sflag:$0x1] =	stream.linear.gather [hbm4b:s11+s2], $0x40, $0x38;
	[tilespmem:$0x2180] =	vst v63  }
0x38: {  	_ = 	snop  }
0x39: {  	[tilespmem:s6], [sflag:$0x2] =	stream.linear.gather [hbm4b:s12+s2], $0x40, $0x38;
	[tilespmem:$0x2180] =	vst v63  }
0x3a: {  	_ = 	snop  }
0x3b: {  	[tilespmem:s15], [sflag:$0x3] =	stream.linear.gather [hbm4b:s13+s2], $0x40, $0x38;
	[tilespmem:$0x2180] =	vst v63  }
0x3c: {  	_ =	swait.ge [sflag:s5], $0x40  }
0x3d: {  	[sflag:s5] =	ssyncset.done $0x0  }
0x3e: {  	[sflag:s5] =	ssyncadd.s32 $0xFFFFFFC0  }
0x3f: {  	_ =	swait.ge [sflag:s14], $0x40  }
0x40: {  	[sflag:s14] =	ssyncset.done $0x0  }
0x41: {  	[sflag:s14] =	ssyncadd.s32 $0xFFFFFFC0  }
0x42: {  	_ =	swait.ge [sflag:s10], $0x40  }
0x43: {  	[sflag:s10] =	ssyncset.done $0x0  }
0x44: {  	[sflag:s10] =	ssyncadd.s32 $0xFFFFFFC0  }
.Ltmp2:
0x45: {  	v2 =	vld [tilespmem:$0x50];
	(pc) =	sbr.rel @p1 .LBB2_2-.Ltmp2, $4  }
0x46: {  	v0 =	vld [tilespmem:$0xB0]  }
0x47: {  	v1 =	vld [tilespmem:$0x10]  }
0x48: {  	v3 =	vld [tilespmem:$0x30]  }
0x49: {  	v4 =	vld [tilespmem:$0x70]  }
.LBB2_3:
0x4a: {  	v5 =	vld @p0 [tilespmem:$0x20]  }
0x4b: {  	v6 =	vld @p0 [tilespmem:$0x0]  }
0x4c: {  	v7 =	vld @p0 [tilespmem:$0x60]  }
0x4d: {  	v8 =	vld @p0 [tilespmem:$0x40]  }
0x4e: {  	v9 =	vld @p0 [tilespmem:$0x90];
	v2 =	vmul.u32 @p0 $0x3, v2;
	v1 =	vmul.u32 @p0 $0x6, v1  }
0x4f: {  	v10 =	vld @p0 [tilespmem:$0xA0];
	v3 =	vmul.u32 @p0 $0x6, v3;
	v4 =	vmul.u32 @p0 $0x3, v4  }
0x50: {  	v11 =	vld @p0 [tilespmem:$0x80];
	v1 =	vadd.s32 @p0 v1, v2  }
0x51: {  	v5 =	vmul.u32 @p0 $0x6, v5;
	v3 =	vadd.s32 @p0 v3, v4;
	v4 =	vmul.u32 @p0 $0x3, v7  }
0x52: {  	v6 =	vmul.u32 @p0 $0x6, v6;
	v0 =	vadd.s32 @p0 v0, v3;
	v3 =	vmul.u32 @p0 $0x3, v8  }
0x53: {  	[tilespmem:$0x130] =	vst @p0 v0;
	v0 =	vadd.s32 @p0 v9, v1;
	v1 =	vadd.s32 @p0 v5, v4  }
0x54: {  	v2 =	vadd.s32 @p0 v6, v3;
	[tilespmem:$0x110] =	vst @p0 v0;
	v0 =	vadd.s32 @p0 v10, v1  }
0x55: {  	v1 =	vadd.s32 @p0 v11, v2;
	[tilespmem:$0x120] =	vst @p0 v0  }
0x56: {  	[tilespmem:$0x100] =	vst @p0 v1  }
0x57: {  	[tilespmem:s8], [sflag:$0x1] =	stream.indirect.gather @p0 [hbm4b:s3+s6], $0x80, s9, s6, $0xb8;
	[tilespmem:$0x2180] =	vst v63  }
0x58: {  	_ =	swait.ge @p0 [sflag:s5], $0x2000  }
0x59: {  	[sflag:s5] =	ssyncset.done @p0 $0x0  }
0x5a: {  	[sflag:s5] =	ssyncadd.s32 @p0 $0xFFFFE000  }
0x5b: {  	[hbm4b:s4+s2] =	stream.linear.scatter @p0 [tilespmem:s8], [sflag:$0x4], $0x2000, $0x38;
	[tilespmem:$0x2180] =	vst v63  }
0x5c: {  	_ =	swait.ge @p0 [sflag:s7], $0x2000  }
0x5d: {  	[sflag:s7] =	ssyncset.done @p0 $0x0  }
0x5e: {  	[sflag:s7] =	ssyncadd.s32 @p0 $0xFFFFE000  }
0x5f: {  	[tilespmem:s2], [sflag:$0x1] =	stream.linear.gather [hbm4b:s11+s2], $0x40, $0x38;
	[tilespmem:$0x2180] =	vst v63  }
0x60: {  	_ = 	snop  }
0x61: {  	[tilespmem:s6], [sflag:$0x2] =	stream.linear.gather [hbm4b:s12+s2], $0x40, $0x38;
	[tilespmem:$0x2180] =	vst v63  }
0x62: {  	_ = 	snop  }
0x63: {  	[tilespmem:s15], [sflag:$0x3] =	stream.linear.gather [hbm4b:s13+s2], $0x40, $0x38;
	[tilespmem:$0x2180] =	vst v63  }
0x64: {  	_ =	swait.ge [sflag:s5], $0x40  }
0x65: {  	[sflag:s5] =	ssyncset.done $0x0  }
0x66: {  	[sflag:s5] =	ssyncadd.s32 $0xFFFFFFC0  }
0x67: {  	_ =	swait.ge [sflag:s14], $0x40  }
0x68: {  	[sflag:s14] =	ssyncset.done $0x0  }
0x69: {  	[sflag:s14] =	ssyncadd.s32 $0xFFFFFFC0  }
0x6a: {  	_ =	swait.ge [sflag:s10], $0x40  }
0x6b: {  	[sflag:s10] =	ssyncset.done $0x0  }
0x6c: {  	[sflag:s10] =	ssyncadd.s32 $0xFFFFFFC0  }
0x6d: {  	v46 =	vld [tilespmem:$0x50]  }
0x6e: {  	v47 =	vld [tilespmem:$0xB0]  }
0x6f: {  	v48 =	vld [tilespmem:$0x10]  }
0x70: {  	v49 =	vld [tilespmem:$0x30]  }
0x71: {  	v50 =	vld [tilespmem:$0x70]  }
0x72: {  	v51 =	vld [tilespmem:$0x20]  }
0x73: {  	v52 =	vld [tilespmem:$0x0]  }
0x74: {  	v53 =	vld [tilespmem:$0x60]  }
0x75: {  	v54 =	vld [tilespmem:$0x40]  }
0x76: {  	v55 =	vld [tilespmem:$0x90]  }
0x77: {  	v56 =	vld [tilespmem:$0xA0];
	v3 =	vmul.u32 $0x6, v49;
	v4 =	vmul.u32 $0x3, v50  }
0x78: {  	v57 =	vld [tilespmem:$0x80];
	v0 =	vmul.u32 $0x3, v46;
	v5 =	vmul.u32 $0x6, v51;
	v2 =	vmul.u32 $0x6, v48  }
0x79: {  	v6 =	vmul.u32 $0x6, v52;
	v58 =	vmul.u32 $0x3, v53;
	v3 =	vadd.s32 v3, v4  }
0x7a: {  	v59 =	vmul.u32 $0x3, v54;
	v0 =	vadd.s32 v2, v0;
	v1 =	vadd.s32 v47, v3  }
0x7b: {  	v60 =	vadd.s32 v5, v58;
	v0 =	vadd.s32 v55, v0;
	[tilespmem:$0x130] =	vst v1  }
0x7c: {  	v61 =	vadd.s32 v6, v59;
	v62 =	vadd.s32 v56, v60;
	[tilespmem:$0x110] =	vst v0  }
0x7d: {  	v63 =	vadd.s32 v57, v61;
	[tilespmem:$0x120] =	vst v62  }
0x7e: {  	[tilespmem:$0x100] =	vst v63  }
0x7f: {  	[tilespmem:s8], [sflag:$0x1] =	stream.indirect.gather [hbm4b:s3+s6], $0x80, s9, s6, $0xb8;
	[tilespmem:$0x2180] =	vst v63  }
0x80: {  	_ =	swait.ge [sflag:s5], $0x2000  }
0x81: {  	[sflag:s5] =	ssyncset.done $0x0  }
0x82: {  	[sflag:s5] =	ssyncadd.s32 $0xFFFFE000  }
0x83: {  	[hbm4b:s4+s2] =	stream.linear.scatter [tilespmem:s8], [sflag:$0x4], $0x2000, $0x38;
	[tilespmem:$0x2180] =	vst v63  }
0x84: {  	_ =	swait.ge [sflag:s7], $0x2000  }
0x85: {  	[sflag:s7] =	ssyncset.done $0x0  }
0x86: {  	[sflag:s7] =	ssyncadd.s32 $0xFFFFE000  }
0x87: {  	_ =	sfence.sel $0x180000  }
0x88: {  	[bflag:$0x0] =	sbarrier.arrive $0xFFFF  }
0x89: {  	p0 =	sne.s32 s1, $0x0;
	_ =	strace $0x90000047  }
0x8a: {  	s0 =	sadd.s32 @!p0 $0x100000, s0;
	[bflag:$0x2] =	sbarrier.arrive $0xFFFF  }
0x8b: {  	[sflag:s0] =	ssyncadd.tile.s32 @!p0 $0x1;
	_ =	shalt  }
.Lfunc_end2:
_tile_overlayer_lowered:
.L_overlay_start_2:
0x8c: {  	(tag) =	ssettag $0x2  }
0x8d: {  	s0 =	rddreg [dreg:$0x0];
	s2 =	stileid.u32  }
0x8e: {  	s1 =	rddreg [dreg:$0x1];
	p0 =	sne.s32 s2, $0x0  }
0x8f: {  	s3 =	rddreg [dreg:$0x2];
	[bflag:$0x3] =	sbarrier.arrive $0xFFFF;
	s2 =	simm.s32 @!p0 $0x1C04  }
0x90: {  	[timem:s3], [sflag:s2] =	dma.local @!p0 [hbm:s0], s1  }
0x91: {  	s0 =	simm.s32 @!p0 $0x4  }
0x92: {  	_ =	swait.ge @!p0 [sflag:s0], s1  }
0x93: {  	s1 =	ssub.s32 @!p0 $0x0, s1;
	[sflag:s0] =	ssyncset.done @!p0 $0x0  }
0x94: {  	[sflag:s0] =	ssyncadd.s32 @!p0 s1  }
0x95: {  	[bflag:$0x3] =	sbarrier.arrive $0xFFFF  }
0x96: {  	_ =	shalt  }

</sc_bundles>
